<compile_context>
chip_gen: v7x
topology: tpu7x:2x2x1
jax: 0.10.2.dev20260603
libtpu: 0.0.44.dev20260713+nightly
codegen_flags: <defaults>
</compile_context>

<pallas_src>
import functools

import jax
import jax.numpy as jnp
from jax import lax
from jax.experimental import pallas as pl
from jax.experimental.pallas import tpu as pltpu
from jax.experimental.pallas import tpu_sc as plsc

_L = 16


def _prep_body(h_hbm, wt_ref, b_ref, ei_ref, pq_ref, src_ref, dst_ref,
               h_vmem, h_sem):
    cp = pltpu.make_async_copy(h_hbm, h_vmem, h_sem)
    cp.start()
    src_ref[...] = ei_ref[0, :]
    dst_ref[...] = ei_ref[1, :]
    cp.wait()
    pq = jax.lax.dot_general(
        wt_ref[...], h_vmem[...], (((1,), (1,)), ((), ())),
        preferred_element_type=jnp.float32)
    pq_ref[0:1, :] = pq[0:1, :] + b_ref[0]
    pq_ref[1:2, :] = pq[1:2, :]


@functools.cache
def _make_sc_gather(n_nodes, n_edges, nc, ns):
    nw = nc * ns
    epw = n_edges // nw
    mesh = plsc.VectorSubcoreMesh(core_axis_name="c", subcore_axis_name="s")

    @functools.partial(
        pl.kernel,
        mesh=mesh,
        compiler_params=pltpu.CompilerParams(
            needs_layout_passes=False, skip_device_barrier=True),
        out_type=jax.ShapeDtypeStruct((n_edges,), jnp.float32),
        scratch_types=[
            pltpu.VMEM((n_nodes,), jnp.float32),
            pltpu.VMEM((n_nodes,), jnp.float32),
            pltpu.VMEM((epw,), jnp.int32),
            pltpu.VMEM((epw,), jnp.int32),
            pltpu.VMEM((epw,), jnp.float32),
            pltpu.SemaphoreType.DMA,
        ],
    )
    def sc_gather(pq_hbm, src_hbm, dst_hbm, out_hbm,
                  p_v, q_v, src_v, dst_v, out_v, sem):
        wid = lax.axis_index("s") * nc + lax.axis_index("c")
        base = wid * epw
        c1 = pltpu.make_async_copy(pq_hbm.at[0], p_v, sem)
        c2 = pltpu.make_async_copy(pq_hbm.at[1], q_v, sem)
        c3 = pltpu.make_async_copy(src_hbm.at[pl.ds(base, epw)], src_v, sem)
        c4 = pltpu.make_async_copy(dst_hbm.at[pl.ds(base, epw)], dst_v, sem)
        c1.start(); c2.start(); c3.start(); c4.start()
        c1.wait(); c2.wait(); c3.wait(); c4.wait()

        @plsc.parallel_loop(0, epw // _L, 1, unroll=25)
        def _gather(i):
            off = i * _L
            s16 = src_v[pl.ds(off, _L)]
            d16 = dst_v[pl.ds(off, _L)]
            vals = (plsc.load_gather(p_v, [s16])
                    + plsc.load_gather(q_v, [d16]))
            out_v[pl.ds(off, _L)] = vals
        pltpu.sync_copy(out_v, out_hbm.at[pl.ds(base, epw)])

    return sc_gather


def kernel(h, edge_index, W, b):
    n_nodes, d = h.shape
    n_edges = edge_index.shape[1]
    ei = edge_index.astype(jnp.int32)
    wt = W.reshape(2, d)

    pq, src, dst = pl.pallas_call(
        _prep_body,
        in_specs=[
            pl.BlockSpec(memory_space=pl.ANY),
            pl.BlockSpec(memory_space=pltpu.VMEM),
            pl.BlockSpec(memory_space=pltpu.SMEM),
            pl.BlockSpec(memory_space=pltpu.VMEM),
        ],
        out_specs=[
            pl.BlockSpec(memory_space=pltpu.VMEM),
            pl.BlockSpec(memory_space=pltpu.VMEM),
            pl.BlockSpec(memory_space=pltpu.VMEM),
        ],
        scratch_shapes=[
            pltpu.VMEM((n_nodes, d), jnp.float32),
            pltpu.SemaphoreType.DMA,
        ],
        out_shape=[
            jax.ShapeDtypeStruct((2, n_nodes), jnp.float32),
            jax.ShapeDtypeStruct((n_edges,), jnp.int32),
            jax.ShapeDtypeStruct((n_edges,), jnp.int32),
        ],
    )(h, wt, b.astype(jnp.float32), ei)

    info = plsc.get_sparse_core_info()
    sc = _make_sc_gather(n_nodes, n_edges, info.num_cores, info.num_subcores)
    return sc(pq, src, dst).reshape(n_edges, 1)

# --- scband reference (transcript-rebuilt; emitter-appended) ---
"""Pipeline reference for scband-mlppredictor-75213467287860 (READ-ONLY COPY).

The authoritative reference and input builder live on the scoring server;
editing this copy changes nothing except your own understanding.
"""

import jax, jax.numpy as jnp
import numpy as np

N_NODES = 10000
N_EDGES = 320000
D_FEAT = 128
OUT_CLASSES = 1


def setup_inputs(seed: int = 0) -> dict:
    key = jax.random.key(seed)
    k_h, k_e, k_w, k_b = jax.random.split(key, 4)
    h = jax.random.normal(k_h, (N_NODES, D_FEAT), dtype=jnp.float32)
    edge_index = jax.random.randint(k_e, (2, N_EDGES), 0, N_NODES, dtype=jnp.int64)
    # Linear(in_features*2 -> out_classes): W stored as [2*D, OUT] for right-multiply
    W = jax.random.normal(k_w, (2 * D_FEAT, OUT_CLASSES), dtype=jnp.float32) * 0.02
    b = jnp.zeros((OUT_CLASSES,), dtype=jnp.float32)
    return {"h": h, "edge_index": edge_index, "W": W, "b": b}


def reference(h, edge_index, W, b):
    # apply_edges: gather src/dst node features per edge, concat, linear
    src = edge_index[0]
    dst = edge_index[1]
    h_u = jnp.take(h, src, axis=0)   # [E, D]
    h_v = jnp.take(h, dst, axis=0)   # [E, D]
    cat = jnp.concatenate([h_u, h_v], axis=1)  # [E, 2D]
    score = cat @ W + b              # [E, OUT]
    return score

if __name__ == "__main__":
    import jax
    _d = setup_inputs()
    print(jax.jit(kernel)(*tuple(_d.values())))

</pallas_src>

<mosaic_0001>
#map = affine_map<(d0, d1) -> (0, 0)>
#map1 = affine_map<(d0, d1) -> (0)>
module attributes {stable_mosaic.version = 14 : i64} {
  func.func @sc_gather(%arg0: i32, %arg1: i32, %arg2: memref<2x10000xf32, #tpu.memory_space<hbm>>, %arg3: memref<320000xi32, #tpu.memory_space<hbm>>, %arg4: memref<320000xi32, #tpu.memory_space<hbm>>, %arg5: memref<320000xf32, #tpu.memory_space<hbm>>, %arg6: memref<10000xf32, #tpu.memory_space<vmem>>, %arg7: memref<10000xf32, #tpu.memory_space<vmem>>, %arg8: memref<10000xi32, #tpu.memory_space<vmem>>, %arg9: memref<10000xi32, #tpu.memory_space<vmem>>, %arg10: memref<10000xf32, #tpu.memory_space<vmem>>, %arg11: memref<!tpu.dma_semaphore, #tpu.memory_space<semaphore_mem>>) attributes {dimension_semantics = [#tpu.dimension_semantics<core_parallel>, #tpu.dimension_semantics<subcore_parallel>], iteration_bounds = array<i64: 2, 16>, scalar_prefetch = 0 : i64, scratch_operands = 6 : i64, tpu.core_type = #tpu.core_type<sc_vector_subcore>, window_params = [{transform_indices = #map}, {transform_indices = #map1}, {transform_indices = #map1}, {transform_indices = #map1}]} {
    %mul3A = arith.constant 2 : i32
    %mul3A_0 = arith.muli %arg1, %mul3A : i32
    %add3A = arith.addi %mul3A_0, %arg0 : i32
    %mul3A_1 = arith.constant 10000 : i32
    %mul3A_2 = arith.muli %add3A, %mul3A_1 : i32
    %dma_start3A = arith.constant 0 : i32
    %dma_start3A_3 = arith.constant 0 : i32
    %dma_start3A_4 = tpu.memref_slice %arg2[%dma_start3A, %dma_start3A_3] : memref<2x10000xf32, #tpu.memory_space<hbm>> -> memref<1x10000xf32, #tpu.memory_space<hbm>>
    %dma_start3A_5 = tpu.memref_squeeze %dma_start3A_4 : memref<1x10000xf32, #tpu.memory_space<hbm>> -> memref<10000xf32, #tpu.memory_space<hbm>>
    %dma_start3A_6 = arith.constant 0 : i32
    %dma_start3A_7 = tpu.memref_slice %arg2[%dma_start3A, %dma_start3A_6] : memref<2x10000xf32, #tpu.memory_space<hbm>> -> memref<1x10000xf32, #tpu.memory_space<hbm>>
    %dma_start3A_8 = tpu.memref_squeeze %dma_start3A_7 : memref<1x10000xf32, #tpu.memory_space<hbm>> -> memref<10000xf32, #tpu.memory_space<hbm>>
    tpu.enqueue_dma source(%dma_start3A_8 : memref<10000xf32, #tpu.memory_space<hbm>>) target(%arg6 : memref<10000xf32, #tpu.memory_space<vmem>>) target_semaphore(%arg11 : memref<!tpu.dma_semaphore, #tpu.memory_space<semaphore_mem>>)
    %dma_start3A_9 = arith.constant 1 : i32
    %dma_start3A_10 = arith.constant 0 : i32
    %dma_start3A_11 = tpu.memref_slice %arg2[%dma_start3A_9, %dma_start3A_10] : memref<2x10000xf32, #tpu.memory_space<hbm>> -> memref<1x10000xf32, #tpu.memory_space<hbm>>
    %dma_start3A_12 = tpu.memref_squeeze %dma_start3A_11 : memref<1x10000xf32, #tpu.memory_space<hbm>> -> memref<10000xf32, #tpu.memory_space<hbm>>
    %dma_start3A_13 = arith.constant 0 : i32
    %dma_start3A_14 = tpu.memref_slice %arg2[%dma_start3A_9, %dma_start3A_13] : memref<2x10000xf32, #tpu.memory_space<hbm>> -> memref<1x10000xf32, #tpu.memory_space<hbm>>
    %dma_start3A_15 = tpu.memref_squeeze %dma_start3A_14 : memref<1x10000xf32, #tpu.memory_space<hbm>> -> memref<10000xf32, #tpu.memory_space<hbm>>
    tpu.enqueue_dma source(%dma_start3A_15 : memref<10000xf32, #tpu.memory_space<hbm>>) target(%arg7 : memref<10000xf32, #tpu.memory_space<vmem>>) target_semaphore(%arg11 : memref<!tpu.dma_semaphore, #tpu.memory_space<semaphore_mem>>)
    %dma_start3A_16 = tpu.memref_slice %arg3[%mul3A_2] : memref<320000xi32, #tpu.memory_space<hbm>> -> memref<10000xi32, #tpu.memory_space<hbm>>
    %dma_start3A_17 = tpu.memref_slice %arg3[%mul3A_2] : memref<320000xi32, #tpu.memory_space<hbm>> -> memref<10000xi32, #tpu.memory_space<hbm>>
    tpu.enqueue_dma source(%dma_start3A_17 : memref<10000xi32, #tpu.memory_space<hbm>>) target(%arg8 : memref<10000xi32, #tpu.memory_space<vmem>>) target_semaphore(%arg11 : memref<!tpu.dma_semaphore, #tpu.memory_space<semaphore_mem>>)
    %dma_start3A_18 = tpu.memref_slice %arg4[%mul3A_2] : memref<320000xi32, #tpu.memory_space<hbm>> -> memref<10000xi32, #tpu.memory_space<hbm>>
    %dma_start3A_19 = tpu.memref_slice %arg4[%mul3A_2] : memref<320000xi32, #tpu.memory_space<hbm>> -> memref<10000xi32, #tpu.memory_space<hbm>>
    tpu.enqueue_dma source(%dma_start3A_19 : memref<10000xi32, #tpu.memory_space<hbm>>) target(%arg9 : memref<10000xi32, #tpu.memory_space<vmem>>) target_semaphore(%arg11 : memref<!tpu.dma_semaphore, #tpu.memory_space<semaphore_mem>>)
    %dma_wait3A = arith.constant 0 : i32
    %dma_wait3A_20 = arith.constant 0 : i32
    %dma_wait3A_21 = tpu.memref_slice %arg2[%dma_wait3A, %dma_wait3A_20] : memref<2x10000xf32, #tpu.memory_space<hbm>> -> memref<1x10000xf32, #tpu.memory_space<hbm>>
    %dma_wait3A_22 = tpu.memref_squeeze %dma_wait3A_21 : memref<1x10000xf32, #tpu.memory_space<hbm>> -> memref<10000xf32, #tpu.memory_space<hbm>>
    %dma_wait3A_23 = arith.constant 0 : i32
    %dma_wait3A_24 = tpu.memref_slice %arg2[%dma_wait3A, %dma_wait3A_23] : memref<2x10000xf32, #tpu.memory_space<hbm>> -> memref<1x10000xf32, #tpu.memory_space<hbm>>
    %dma_wait3A_25 = tpu.memref_squeeze %dma_wait3A_24 : memref<1x10000xf32, #tpu.memory_space<hbm>> -> memref<10000xf32, #tpu.memory_space<hbm>>
    tpu.wait_dma2 semaphore(%arg11 : memref<!tpu.dma_semaphore, #tpu.memory_space<semaphore_mem>>) src(%dma_wait3A_25 : memref<10000xf32, #tpu.memory_space<hbm>>) dst(%arg6 : memref<10000xf32, #tpu.memory_space<vmem>>)
    %dma_wait3A_26 = arith.constant 1 : i32
    %dma_wait3A_27 = arith.constant 0 : i32
    %dma_wait3A_28 = tpu.memref_slice %arg2[%dma_wait3A_26, %dma_wait3A_27] : memref<2x10000xf32, #tpu.memory_space<hbm>> -> memref<1x10000xf32, #tpu.memory_space<hbm>>
    %dma_wait3A_29 = tpu.memref_squeeze %dma_wait3A_28 : memref<1x10000xf32, #tpu.memory_space<hbm>> -> memref<10000xf32, #tpu.memory_space<hbm>>
    %dma_wait3A_30 = arith.constant 0 : i32
    %dma_wait3A_31 = tpu.memref_slice %arg2[%dma_wait3A_26, %dma_wait3A_30] : memref<2x10000xf32, #tpu.memory_space<hbm>> -> memref<1x10000xf32, #tpu.memory_space<hbm>>
    %dma_wait3A_32 = tpu.memref_squeeze %dma_wait3A_31 : memref<1x10000xf32, #tpu.memory_space<hbm>> -> memref<10000xf32, #tpu.memory_space<hbm>>
    tpu.wait_dma2 semaphore(%arg11 : memref<!tpu.dma_semaphore, #tpu.memory_space<semaphore_mem>>) src(%dma_wait3A_32 : memref<10000xf32, #tpu.memory_space<hbm>>) dst(%arg7 : memref<10000xf32, #tpu.memory_space<vmem>>)
    %dma_wait3A_33 = tpu.memref_slice %arg3[%mul3A_2] : memref<320000xi32, #tpu.memory_space<hbm>> -> memref<10000xi32, #tpu.memory_space<hbm>>
    %dma_wait3A_34 = tpu.memref_slice %arg3[%mul3A_2] : memref<320000xi32, #tpu.memory_space<hbm>> -> memref<10000xi32, #tpu.memory_space<hbm>>
    tpu.wait_dma2 semaphore(%arg11 : memref<!tpu.dma_semaphore, #tpu.memory_space<semaphore_mem>>) src(%dma_wait3A_34 : memref<10000xi32, #tpu.memory_space<hbm>>) dst(%arg8 : memref<10000xi32, #tpu.memory_space<vmem>>)
    %dma_wait3A_35 = tpu.memref_slice %arg4[%mul3A_2] : memref<320000xi32, #tpu.memory_space<hbm>> -> memref<10000xi32, #tpu.memory_space<hbm>>
    %dma_wait3A_36 = tpu.memref_slice %arg4[%mul3A_2] : memref<320000xi32, #tpu.memory_space<hbm>> -> memref<10000xi32, #tpu.memory_space<hbm>>
    tpu.wait_dma2 semaphore(%arg11 : memref<!tpu.dma_semaphore, #tpu.memory_space<semaphore_mem>>) src(%dma_wait3A_36 : memref<10000xi32, #tpu.memory_space<hbm>>) dst(%arg9 : memref<10000xi32, #tpu.memory_space<vmem>>)
    %parallel_loop3A = arith.constant 0 : i32
    %parallel_loop3A_37 = arith.constant 625 : i32
    %parallel_loop3A_38 = arith.constant 1 : i32
    scf.for %parallel_loop3A_39 = %parallel_loop3A to %parallel_loop3A_37 step %parallel_loop3A_38  : i32 {
      %parallel_loop3A_40 = arith.constant 16 : i32
      %parallel_loop3A_41 = arith.muli %parallel_loop3A_39, %parallel_loop3A_40 : i32
      %parallel_loop3A_42 = arith.index_cast %parallel_loop3A_41 : i32 to index
      %parallel_loop3A_43 = tpu.vector_load %arg8[%parallel_loop3A_42] {strides = array<i32>} : memref<10000xi32, #tpu.memory_space<vmem>>, vector<16xi32>,
      %parallel_loop3A_44 = arith.index_cast %parallel_loop3A_41 : i32 to index
      %parallel_loop3A_45 = tpu.vector_load %arg9[%parallel_loop3A_44] {strides = array<i32>} : memref<10000xi32, #tpu.memory_space<vmem>>, vector<16xi32>,
      %parallel_loop3A_46 = tpu.vector_load_idx %arg6[%parallel_loop3A_43] : memref<10000xf32, #tpu.memory_space<vmem>>[vector<16xi32>], vector<16xf32>,
      %parallel_loop3A_47 = tpu.vector_load_idx %arg7[%parallel_loop3A_45] : memref<10000xf32, #tpu.memory_space<vmem>>[vector<16xi32>], vector<16xf32>,
      %parallel_loop3A_48 = arith.addf %parallel_loop3A_46, %parallel_loop3A_47 : vector<16xf32>
      %parallel_loop3A_49 = arith.index_cast %parallel_loop3A_41 : i32 to index
      %parallel_loop3A_50 = tpu.vector_load %arg10[%parallel_loop3A_49] {strides = array<i32>} : memref<10000xf32, #tpu.memory_space<vmem>>, vector<16xf32>,
      tpu.vector_store %arg10[%parallel_loop3A_49], %parallel_loop3A_48 {strides = array<i32>} : memref<10000xf32, #tpu.memory_space<vmem>>, vector<16xf32>,
    } {sc.loop_unroll_factor = 25 : i64, sc.parallel_access}
    "tpu.region"() ({
      %run_scoped3A = tpu.sem_alloc : memref<!tpu.dma_semaphore, #tpu.memory_space<semaphore_mem>>
      %dma_start3A_39 = tpu.memref_slice %arg5[%mul3A_2] : memref<320000xf32, #tpu.memory_space<hbm>> -> memref<10000xf32, #tpu.memory_space<hbm>>
      %dma_start3A_40 = tpu.memref_slice %arg5[%mul3A_2] : memref<320000xf32, #tpu.memory_space<hbm>> -> memref<10000xf32, #tpu.memory_space<hbm>>
      tpu.enqueue_dma source(%arg10 : memref<10000xf32, #tpu.memory_space<vmem>>) target(%dma_start3A_40 : memref<10000xf32, #tpu.memory_space<hbm>>) target_semaphore(%run_scoped3A : memref<!tpu.dma_semaphore, #tpu.memory_space<semaphore_mem>>)
      %dma_wait3A_41 = tpu.memref_slice %arg5[%mul3A_2] : memref<320000xf32, #tpu.memory_space<hbm>> -> memref<10000xf32, #tpu.memory_space<hbm>>
      %dma_wait3A_42 = tpu.memref_slice %arg5[%mul3A_2] : memref<320000xf32, #tpu.memory_space<hbm>> -> memref<10000xf32, #tpu.memory_space<hbm>>
      tpu.wait_dma2 semaphore(%run_scoped3A : memref<!tpu.dma_semaphore, #tpu.memory_space<semaphore_mem>>) src(%arg10 : memref<10000xf32, #tpu.memory_space<vmem>>) dst(%dma_wait3A_42 : memref<10000xf32, #tpu.memory_space<hbm>>)
      tpu.yield
    }) : () -> ()
    return
  }
}

module attributes {stable_mosaic.version = 14 : i64} {
  func.func @_prep_body(%arg0: memref<10000x128xf32, #tpu.memory_space<any>>, %arg1: memref<2x128xf32, #tpu.memory_space<vmem>>, %arg2: memref<1xf32, #tpu.memory_space<smem>>, %arg3: memref<2x320000xi32, #tpu.memory_space<vmem>>, %arg4: memref<2x10000xf32, #tpu.memory_space<vmem>>, %arg5: memref<320000xi32, #tpu.memory_space<vmem>>, %arg6: memref<320000xi32, #tpu.memory_space<vmem>>, %arg7: memref<10000x128xf32, #tpu.memory_space<vmem>>, %arg8: memref<!tpu.dma_semaphore, #tpu.memory_space<semaphore_mem>>) attributes {dimension_semantics = [], scalar_prefetch = 0 : i64, scratch_operands = 2 : i64, tpu.core_type = #tpu.core_type<tc>} {
    tpu.enqueue_dma source(%arg0 : memref<10000x128xf32, #tpu.memory_space<any>>) target(%arg7 : memref<10000x128xf32, #tpu.memory_space<vmem>>) target_semaphore(%arg8 : memref<!tpu.dma_semaphore, #tpu.memory_space<semaphore_mem>>)
    %get3A = arith.constant 0 : index
    %get3A_0 = arith.constant 0 : index
    %get3A_1 = vector.load %arg3[%get3A, %get3A_0] : memref<2x320000xi32, #tpu.memory_space<vmem>>, vector<1x320000xi32>
    %get3A_2 = vector.shape_cast %get3A_1 : vector<1x320000xi32> to vector<320000xi32>
    %swap3A = arith.constant 0 : index
    %swap3A_3 = vector.load %arg5[%swap3A] : memref<320000xi32, #tpu.memory_space<vmem>>, vector<320000xi32>
    tpu.vector_store %arg5[%swap3A], %get3A_2 {strides = array<i32>} : memref<320000xi32, #tpu.memory_space<vmem>>, vector<320000xi32>,
    %get3A_4 = arith.constant 1 : index
    %get3A_5 = arith.constant 0 : index
    %get3A_6 = vector.load %arg3[%get3A_4, %get3A_5] : memref<2x320000xi32, #tpu.memory_space<vmem>>, vector<1x320000xi32>
    %get3A_7 = vector.shape_cast %get3A_6 : vector<1x320000xi32> to vector<320000xi32>
    %swap3A_8 = arith.constant 0 : index
    %swap3A_9 = vector.load %arg6[%swap3A_8] : memref<320000xi32, #tpu.memory_space<vmem>>, vector<320000xi32>
    tpu.vector_store %arg6[%swap3A_8], %get3A_7 {strides = array<i32>} : memref<320000xi32, #tpu.memory_space<vmem>>, vector<320000xi32>,
    tpu.wait_dma2 semaphore(%arg8 : memref<!tpu.dma_semaphore, #tpu.memory_space<semaphore_mem>>) src(%arg0 : memref<10000x128xf32, #tpu.memory_space<any>>) dst(%arg7 : memref<10000x128xf32, #tpu.memory_space<vmem>>)
    %get3A_10 = arith.constant 0 : index
    %get3A_11 = arith.constant 0 : index
    %get3A_12 = vector.load %arg1[%get3A_10, %get3A_11] : memref<2x128xf32, #tpu.memory_space<vmem>>, vector<2x128xf32>
    %get3A_13 = arith.constant 0 : index
    %get3A_14 = arith.constant 0 : index
    %get3A_15 = vector.load %arg7[%get3A_13, %get3A_14] : memref<10000x128xf32, #tpu.memory_space<vmem>>, vector<10000x128xf32>
    %dot_general3A = arith.constant dense<0.000000e+00> : vector<2x10000xf32>
    %dot_general3A_16 = tpu.matmul %get3A_12, %get3A_15, %dot_general3A {dimension_numbers = #tpu.dot_dimension_numbers<[1], [1], [0], [0], [0, 0, 1, 0], [], []>, transpose_lhs_hint = false} : vector<2x128xf32>, vector<10000x128xf32>, vector<2x10000xf32> -> vector<2x10000xf32>
    %slice3A = vector.extract_strided_slice %dot_general3A_16 {offsets = [0, 0], sizes = [1, 10000], strides = [1, 1]} : vector<2x10000xf32> to vector<1x10000xf32>
    %get3A_17 = arith.constant 0 : index
    %get3A_18 = memref.load %arg2[%get3A_17] : memref<1xf32, #tpu.memory_space<smem>>
    %add3A = vector.broadcast %get3A_18 : f32 to vector<1x10000xf32>
    %add3A_19 = arith.addf %slice3A, %add3A : vector<1x10000xf32>
    %swap3A_20 = arith.constant 0 : index
    %swap3A_21 = arith.constant 0 : index
    %swap3A_22 = vector.load %arg4[%swap3A_20, %swap3A_21] : memref<2x10000xf32, #tpu.memory_space<vmem>>, vector<1x10000xf32>
    tpu.vector_store %arg4[%swap3A_20, %swap3A_21], %add3A_19 {strides = array<i32>} : memref<2x10000xf32, #tpu.memory_space<vmem>>, vector<1x10000xf32>,
    %slice3A_23 = vector.extract_strided_slice %dot_general3A_16 {offsets = [1, 0], sizes = [1, 10000], strides = [1, 1]} : vector<2x10000xf32> to vector<1x10000xf32>
    %swap3A_24 = arith.constant 1 : index
    %swap3A_25 = arith.constant 0 : index
    %swap3A_26 = vector.load %arg4[%swap3A_24, %swap3A_25] : memref<2x10000xf32, #tpu.memory_space<vmem>>, vector<1x10000xf32>
    tpu.vector_store %arg4[%swap3A_24, %swap3A_25], %slice3A_23 {strides = array<i32>} : memref<2x10000xf32, #tpu.memory_space<vmem>>, vector<1x10000xf32>,
    return
  }
}

</mosaic_0001>

<sc_bundles>
// kernel: kernel.4.cloned.1.call-start
scs
__scs_entry_jumppad:
0x0: {  	(pc) =	sbr.rel $0x88, $3  }
0x1: {  	(tag) =	ssettag $0x0;
	lr =	simm.s32 $0x1  }
0x2: {  	[smem:$0x3F9D] =	sst lr;
	_ =	strace $0xD0000000  }
0x3: {  	_ = 	snop  }
0x4: {  	_ = 	snop  }
0x5: {  	_ = 	snop  }
0x6: {  	_ = 	snop  }
0x7: {  	_ = 	snop  }
__scs_overlays_trampoline_lowered:
0x8: {  	[smem:$0x3FAC] =	sst s0  }
0x9: {  	[smem:$0x3FAD] =	sst s1  }
0xa: {  	[smem:$0x3FAE] =	sst s2  }
0xb: {  	[smem:$0x3FAF] =	sst s3  }
0xc: {  	[smem:$0x3FB0] =	sst s4  }
0xd: {  	[smem:$0x3FB1] =	sst s5  }
0xe: {  	[smem:$0x3FB2] =	sst s6  }
0xf: {  	[smem:$0x3FB3] =	sst s7  }
0x10: {  	[smem:$0x3FB4] =	sst s8  }
0x11: {  	[smem:$0x3FB5] =	sst s9;
	s0 =	simm.s32 @!p0 $0x0  }
0x12: {  	s1 =	sld [smem:$0x3F9B];
	s0 =	simm.s32 @p0 $0x1  }
0x13: {  	[smem:$0x3FB6] =	sst s0;
	s0 =	simm.s32 @!p1 $0x0  }
0x14: {  	s2 =	sld [smem:$0x3F9A];
	s0 =	simm.s32 @p1 $0x1  }
0x15: {  	[smem:$0x3FB7] =	sst s0;
	s0 =	simm.s32 @!p2 $0x0  }
0x16: {  	s3 =	sld [smem:$0x3FDB];
	s0 =	simm.s32 @p2 $0x1  }
0x17: {  	s4 =	simm.s32 $0x1BF5;
	[smem:$0x3FB9] =	sst s0  }
0x18: {  	s0 =	sld [smem:$0x3F9C];
	_ =	swait.ge [sflag:s4], $0x0  }
0x19: {  	s7 =	sld [smem:$0x3F9D]  }
0x1a: {  	s8 =	sadd.s32 $0xFFFFE003, lr  }
0x1b: {  	s9 =	sadd.s32 $0xFFFFFEF7, lr;
	s5 =	simm.s32 $0xFFFFFFFF;
	p2 =	slt.u32 s8, $0xFFFFF086  }
0x1c: {  	p1 =	slt.u32 s9, $0xF7A;
	s5 =	simm.s32 @!p2 $0x0  }
0x1d: {  	s5 =	simm.s32 @p1 $0x1;
	p0 =	seq.s32 s7, s2  }
0x1e: {  	s7 =	smul.u32 @!p0 $0xF7A, s2;
	p2 =	seq.s32 @!p0 s5, $0x0  }
0x1f: {  	s9 =	smul.u32 $0xF7A, s1;
	s8 =	simm.s32 @!p0 $0x1BF5;
	p2 =	por !p2, p0  }
0x20: {  	[sflag:s8] =	ssyncset.s32 @!p0 $0xFFFFF086;
	s6 =	sadd.s32 @!p0 s3, s7;
	s7 =	simm.s32 @!p0 $0x108  }
0x21: {  	s3 =	sadd.s32 s3, s9;
	s6 =	sadd.s32 @!p0 $0x88, s6;
	s7 =	simm.s32 @p2 $0x1082  }
0x22: {  	[simem:s7], [sflag:s8] =	dma.local @!p0 [hbm:s6], $0xF7A  }
0x23: {  	s9 =	sor.u32 $0xD0000000, s2;
	s6 =	simm.s32 $0x108;
	_ =	swait.ge @!p0 [sflag:s8], $0x0  }
0x24: {  	s3 =	sadd.s32 $0x88, s3;
	s6 =	simm.s32 @!p1 $0x1082;
	[sflag:s4] =	ssyncset.s32 $0xFFFFF086  }
0x25: {  	[simem:s6], [sflag:s4] =	dma.local [hbm:s3], $0xF7A  }
0x26: {  	[smem:$0x3F9D] =	sst s1;
	(tag) =	ssettag s2;
	_ =	strace s9  }
0x27: {  	s1 =	sld [smem:$0x3FAD]  }
0x28: {  	s2 =	sld [smem:$0x3FAE]  }
0x29: {  	s4 =	sld [smem:$0x3FB0]  }
0x2a: {  	p0 =	seq.s32 s5, $0x0;
	s5 =	sld [smem:$0x3FB1]  }
0x2b: {  	s6 =	sld [smem:$0x3FB2]  }
0x2c: {  	s7 =	sld [smem:$0x3FB3]  }
0x2d: {  	s3 =	simm.s32 $0x108;
	s8 =	sld [smem:$0x3FB4]  }
0x2e: {  	s3 =	simm.s32 @!p0 $0x1082;
	s9 =	sld [smem:$0x3FB5]  }
0x2f: {  	lr =	sadd.s32 s0, s3;
	s0 =	sld [smem:$0x3FAC]  }
0x30: {  	s3 =	sld [smem:$0x3FAF]  }
0x31: {  	[smem:$0x3FB8] =	sst s10  }
0x32: {  	s10 =	sld [smem:$0x3FB6];
	_ =	sdelay $0x3  }
0x33: {  	p0 =	seq.s32 s10, $0x1;
	s10 =	sld [smem:$0x3FB8];
	_ =	sdelay $0x3  }
0x34: {  	[smem:$0x3FB8] =	sst s10  }
0x35: {  	s10 =	sld [smem:$0x3FB7];
	_ =	sdelay $0x3  }
0x36: {  	p1 =	seq.s32 s10, $0x1;
	s10 =	sld [smem:$0x3FB8];
	_ =	sdelay $0x3  }
0x37: {  	[smem:$0x3FB8] =	sst s10  }
0x38: {  	s10 =	sld [smem:$0x3FB9]  }
0x39: {  	_ = 	snop;
	(pc) =	sbr.ind lr, $3  }
0x3a: {  	_ = 	snop  }
0x3b: {  	_ = 	snop  }
0x3c: {  	p2 =	seq.s32 s10, $0x1;
	s10 =	sld [smem:$0x3FB8]  }
0x3d: {  	_ =	shalt  }
0x3e: {  	_ =	shalt  }
0x3f: {  	_ =	shalt  }
0x40: {  	_ =	shalt  }
0x41: {  	_ =	shalt  }
0x42: {  	_ =	shalt  }
0x43: {  	_ =	shalt  }
0x44: {  	_ =	shalt  }
0x45: {  	_ =	shalt  }
0x46: {  	_ =	shalt  }
0x47: {  	_ =	shalt  }
0x48: {  	_ =	shalt  }
0x49: {  	_ =	shalt  }
0x4a: {  	_ =	shalt  }
0x4b: {  	_ =	shalt  }
0x4c: {  	_ =	shalt  }
0x4d: {  	_ =	shalt  }
0x4e: {  	_ =	shalt  }
0x4f: {  	_ =	shalt  }
0x50: {  	_ =	shalt  }
0x51: {  	_ =	shalt  }
0x52: {  	_ =	shalt  }
0x53: {  	_ =	shalt  }
0x54: {  	_ =	shalt  }
0x55: {  	_ =	shalt  }
0x56: {  	_ =	shalt  }
0x57: {  	_ =	shalt  }
0x58: {  	_ =	shalt  }
0x59: {  	_ =	shalt  }
0x5a: {  	_ =	shalt  }
0x5b: {  	_ =	shalt  }
0x5c: {  	_ =	shalt  }
0x5d: {  	_ =	shalt  }
0x5e: {  	_ =	shalt  }
0x5f: {  	_ =	shalt  }
0x60: {  	_ =	shalt  }
0x61: {  	_ =	shalt  }
0x62: {  	_ =	shalt  }
0x63: {  	_ =	shalt  }
0x64: {  	_ =	shalt  }
0x65: {  	_ =	shalt  }
0x66: {  	_ =	shalt  }
0x67: {  	_ =	shalt  }
0x68: {  	_ =	shalt  }
0x69: {  	_ =	shalt  }
0x6a: {  	_ =	shalt  }
0x6b: {  	_ =	shalt  }
0x6c: {  	_ =	shalt  }
0x6d: {  	_ =	shalt  }
0x6e: {  	_ =	shalt  }
0x6f: {  	_ =	shalt  }
0x70: {  	_ =	shalt  }
0x71: {  	_ =	shalt  }
0x72: {  	_ =	shalt  }
0x73: {  	_ =	shalt  }
0x74: {  	_ =	shalt  }
0x75: {  	_ =	shalt  }
0x76: {  	_ =	shalt  }
0x77: {  	_ =	shalt  }
0x78: {  	_ =	shalt  }
0x79: {  	_ =	shalt  }
0x7a: {  	_ =	shalt  }
0x7b: {  	_ =	shalt  }
0x7c: {  	_ =	shalt  }
0x7d: {  	_ =	shalt  }
0x7e: {  	_ =	shalt  }
0x7f: {  	_ =	shalt  }
0x80: {  	_ =	shalt  }
0x81: {  	_ =	shalt  }
0x82: {  	_ =	shalt  }
0x83: {  	_ =	shalt  }
0x84: {  	_ =	shalt  }
0x85: {  	_ =	shalt  }
0x86: {  	_ =	shalt  }
0x87: {  	_ =	shalt  }
.Lfunc_end0:
.L_simem_size_0:
called_computation_lowered:
.L_overlay_start_0:
0x88: {  	s2 =	sld [smem:$0x3FD9]  }
0x89: {  	s3 =	sld [smem:$0x3FFE];
	_ =	sdelay $0x1  }
0x8a: {  	s1 =	srdreg.scid  }
0x8b: {  	s0 =	sand.u32 $0x1, s1  }
0x8c: {  	s17 =	sshll.u32 s0, $0xA;
	s2 =	sadd.s32 s3, s2  }
0x8d: {  	s2 =	sadd.s32 s2, s17  }
0x8e: {  	[smem:$0x3FC4] =	sst s2  }
0x8f: {  	_ = 	snop  }
0x90: {  	s2 =	sld [smem:$0x3FD0];
	(tm) =	ssettm $0x1  }
0x91: {  	s18 =	sld [smem:$0x3FFB];
	_ =	sdelay $0x3  }
0x92: {  	_ =	strace s18  }
0x93: {  	s3 =	sld [smem:$0x3FFC];
	_ =	sdelay $0x3  }
0x94: {  	_ =	strace s3  }
0x95: {  	s3 =	sld [smem:$0x3FFD];
	_ =	sdelay $0x3  }
0x96: {  	_ =	strace s3  }
0x97: {  	_ =	strace $0x8FFFFFFF  }
0x98: {  	s19 =	sld [smem:$0x3FDB];
	_ =	sdelay $0x1  }
0x99: {  	s4 =	simm.s32 $_scs_section_size  }
0x9a: {  	s5 =	simm.s32 $_size__tile_overlayer_lowered;
	s6 =	simm.s32 $_tile_overlayer_lowered  }
0x9b: {  	s22 =	simm.s32 $0x1BFF;
	s21 =	sshll.u32 s6, $0x1;
	s3 =	sadd.s32 s4, s19  }
0x9c: {  	s7 =	simm.s32 $0x0;
	s20 =	sshll.u32 s5, $0x1;
	s5 =	sadd.s32 s21, s3  }
0x9d: {  	[timem:s7], [sflag:s22] =	dma.local [hbm:s5], s20  }
0x9e: {  	_ =	swait.ge [sflag:s22], s20  }
0x9f: {  	s4 =	ssub.s32 $0x0, s20;
	[sflag:s22] =	ssyncset.done $0x0  }
0xa0: {  	[sflag:s22] =	ssyncadd.s32 s4;
	_ =	sdelay $0x1  }
0xa1: {  	s23 =	simm.s32 $0x1B8B  }
0xa2: {  	_ =	swait.ge [sflag:s23], $0x1  }
0xa3: {  	[sflag:s23] =	ssyncset.done $0x0  }
0xa4: {  	s25 =	simm.s32 $0x1B8E;
	s24 =	sld [smem:$0x3FFE];
	[sflag:s23] =	ssyncadd.s32 $0xFFFFFFFF  }
0xa5: {  	s26 =	simm.s32 $execute0_lowered;
	[smem:$0x3FD2] =	sst s25  }
0xa6: {  	s5 =	sshll.u32 s26, $0x1;
	_ =	strace $0x80000046;
	[dreg:$0x1] =	wrdreg $0xFFFFFFFF  }
0xa7: {  	s28 =	simm.s32 $_size_execute0_lowered;
	s3 =	sadd.s32 s3, s5;
	[dreg:$0x0] =	wrdreg $0x0  }
0xa8: {  	s5 =	sshll.u32 s28, $0x1;
	[dreg:$0x2] =	wrdreg s3  }
0xa9: {  	[dreg:$0x3] =	wrdreg s5  }
0xaa: {  	[dreg:$0x4] =	wrdreg $0xC0  }
0xab: {  	_ =	task [dreg:s7], $0x5FFFF  }
0xac: {  	[dreg:$0x1] =	wrdreg $0xFFFFFFFF  }
0xad: {  	[dreg:$0x0] =	wrdreg $0x60  }
0xae: {  	[dreg:$0x2] =	wrdreg s2  }
0xaf: {  	[dreg:$0x3] =	wrdreg s24  }
0xb0: {  	[dreg:$0x4] =	wrdreg $0x9  }
0xb1: {  	_ =	task.clear_ibuf [dreg:s7], $0x5FFFF;
	_ =	strace $0x90000046  }
0xb2: {  	s29 =	simm.s32 $0x9;
	_ =	strace $0x80000048  }
0xb3: {  	_ =	swait.ge [sflag:s29], $0x1  }
0xb4: {  	[sflag:s29] =	ssyncadd.s32 $0xFFFFFFFF  }
0xb5: {  	_ =	strace $0x90000048  }
0xb6: {  	_ =	sfence  }
0xb7: {  	s30 =	sld [smem:$0x0];
	_ =	sdelay $0x2  }
0xb8: {  	s31 =	sshll.u32 s1, $0xD;
	s1 =	sshrl.u32 s1, $0x2  }
0xb9: {  	s3 =	sand.u32 $0x4000, s31;
	s1 =	sadd.s32 s1, s30  }
0xba: {  	s0 =	sor.u32 s3, s0;
	s1 =	sshll.u32 s1, $0x11  }
0xbb: {  	s0 =	sor.u32 s1, s0  }
0xbc: {  	s0 =	sadd.s32 $0x8F2B, s0  }
0xbd: {  	[sflag:s0] =	ssyncadd.remote.s32 $0x1  }
0xbe: {  	_ =	sfence.sel $0xFFFF  }
0xbf: {  	[dreg:$0x0] =	wrdreg $0xFFFFFFFF;
	(pc) =	sbr.abs _section_cstart, $3  }
0xc0: {  	[dreg:$0x1] =	wrdreg $0xFFFFFFFF  }
0xc1: {  	_ =	task.clear_ibuf [dreg:s7], $0x2FFFF;
	_ =	strace $0x9FFFFFFF  }
0xc2: {  	(tm) =	ssettm $0x7FFFFFFF  }
0xc3: {  	_ =	shalt  }
tec
execute0_lowered:
.L_overlay_start_1:
0x0: {  	(tag) =	ssettag $0x1  }
0x1: {  	s1 =	srdreg.scid  }
0x2: {  	s0 =	stileid.u32;
	s2 =	rddreg [dreg:$0x0]  }
0x3: {  	s5 =	rddreg [dreg:$0x1];
	s3 =	simm.s32 $0x0;
	s9 =	simm.s32 $0x80  }
0x4: {  	s10 =	simm.s32 $0x100;
	s11 =	simm.s32 $0x2780;
	s12 =	simm.s32 $0x4F00  }
0x5: {  	s13 =	simm.s32 $0x7680;
	s14 =	simm.s32 $0x1;
	s15 =	simm.s32 $0x9E00  }
0x6: {  	s16 =	simm.s32 $0x2;
	s4 =	sand.u32 $0x1, s1;
	s30 =	sshll.u32 s0, $0x1  }
0x7: {  	s17 =	simm.s32 $0x0;
	s6 =	sor.u32 s4, s30;
	s4 =	ssub.s32 $0x2, s4  }
0x8: {  	[smem:$0x7FF] =	sst s3;
	s6 =	smul.u32 $0x4E2, s6;
	s31 =	sshrl.u32 s4, $0x1  }
0x9: {  	s1 =	rddreg [dreg:$0x2];
	_ =	strace $0x80000047;
	s8 =	ssub.s32 s4, s31  }
0xa: {  	s4 =	sadd.s32 $0x10, s2;
	s7 =	sadd.s32 s6, s5;
	s8 =	smax.u32 s8, $0x1  }
0xb: {  	s5 =	sadd.s32 $0x1200, s7;
	s6 =	sadd.s32 $0xB000, s7;
	s7 =	sadd.s32 $0x14E00, s7  }
.LBB2_1:
0xc: {  	[tilespmem:s3], [sflag:$0x1] =	stream.strided.gather [hbm4b:s2+s9], $0x2780, s10, s9, $0x38;
	[tilespmem:$0xC580] =	vst v63  }
0xd: {  	_ = 	snop  }
0xe: {  	[tilespmem:s11], [sflag:$0x1] =	stream.strided.gather [hbm4b:s4+s9], $0x2780, s10, s9, $0x38;
	[tilespmem:$0xC580] =	vst v63  }
0xf: {  	_ = 	snop  }
0x10: {  	[tilespmem:s12], [sflag:$0x1] =	stream.linear.gather [hbm4b:s5+s3], $0x2710, $0x38;
	[tilespmem:$0xC580] =	vst v63  }
0x11: {  	_ = 	snop  }
0x12: {  	[tilespmem:s13], [sflag:$0x1] =	stream.linear.gather [hbm4b:s6+s3], $0x2710, $0x38;
	[tilespmem:$0xC580] =	vst v63  }
0x13: {  	_ =	swait.ge [sflag:s14], $0x2780  }
0x14: {  	[sflag:s14] =	ssyncset.done $0x0  }
0x15: {  	[sflag:s14] =	ssyncadd.s32 $0xFFFFD880  }
0x16: {  	_ =	swait.ge [sflag:s14], $0x2780  }
0x17: {  	[sflag:s14] =	ssyncset.done $0x0  }
0x18: {  	[sflag:s14] =	ssyncadd.s32 $0xFFFFD880  }
0x19: {  	_ =	swait.ge [sflag:s14], $0x2710  }
0x1a: {  	[sflag:s14] =	ssyncset.done $0x0  }
0x1b: {  	[sflag:s14] =	ssyncadd.s32 $0xFFFFD8F0  }
0x1c: {  	_ =	swait.ge [sflag:s14], $0x2710  }
0x1d: {  	[sflag:s14] =	ssyncset.done $0x0  }
0x1e: {  	s19 =	simm.s32 $0x4FC0;
	[sflag:s14] =	ssyncadd.s32 $0xFFFFD8F0  }
0x1f: {  	s18 =	simm.s32 $0x7740;
	v0 =	vld [tilespmem:s19+$0xB0]  }
0x20: {  	s20 =	sand.u32 $0x3FF0, s3;
	v1 =	vld [tilespmem:s18+$0xB0]  }
0x21: {  	v2 =	vld [tilespmem:s20+$0x5080]  }
0x22: {  	v3 =	vld [tilespmem:s20+$0x7800]  }
0x23: {  	v4 =	vld [tilespmem:s20+$0x4F80]  }
0x24: {  	v5 =	vld [tilespmem:s20+$0x7700]  }
0x25: {  	v6 =	vld [tilespmem:s20+$0x5000]  }
0x26: {  	v7 =	vld [tilespmem:s20+$0x7780]  }
0x27: {  	v8 =	vld [tilespmem:s18+$0xFFFFFF40]  }
0x28: {  	v9 =	vld [tilespmem:s19+$0xFFFFFF50]  }
0x29: {  	v10 =	vld [tilespmem:s18+$0xFFFFFF50]  }
0x2a: {  	v11 =	vld [tilespmem:s19+$0xFFFFFF60]  }
0x2b: {  	v12 =	vld [tilespmem:s18+$0xFFFFFF60]  }
0x2c: {  	v13 =	vld [tilespmem:s19+$0xFFFFFF70]  }
0x2d: {  	v14 =	vld [tilespmem:s18+$0xFFFFFF70]  }
0x2e: {  	v15 =	vld [tilespmem:s19+$0xFFFFFF80]  }
0x2f: {  	v16 =	vld [tilespmem:s18+$0xFFFFFF80]  }
0x30: {  	v17 =	vld [tilespmem:s19+$0xFFFFFF90]  }
0x31: {  	v18 =	vld [tilespmem:s18+$0xFFFFFF90]  }
0x32: {  	v19 =	vld [tilespmem:s19+$0xFFFFFFA0]  }
0x33: {  	v20 =	vld [tilespmem:s18+$0xFFFFFFA0]  }
0x34: {  	v21 =	vld [tilespmem:s19+$0xFFFFFFB0]  }
0x35: {  	v22 =	vld [tilespmem:s18+$0xFFFFFFB0]  }
0x36: {  	v23 =	vld [tilespmem:s19+$0xFFFFFFD0]  }
0x37: {  	v24 =	vld [tilespmem:s18+$0xFFFFFFD0]  }
0x38: {  	v25 =	vld [tilespmem:s19+$0xFFFFFFE0]  }
0x39: {  	v26 =	vld [tilespmem:s18+$0xFFFFFFE0]  }
0x3a: {  	v27 =	vld [tilespmem:s19+$0xFFFFFFF0]  }
0x3b: {  	v28 =	vld [tilespmem:s18+$0xFFFFFFF0]  }
0x3c: {  	v29 =	vld [tilespmem:s19+$0x0]  }
0x3d: {  	v30 =	vld [tilespmem:s18+$0x0]  }
0x3e: {  	v31 =	vld [tilespmem:s19+$0x10]  }
0x3f: {  	v32 =	vld [tilespmem:s18+$0x10]  }
0x40: {  	v33 =	vld [tilespmem:s19+$0x20]  }
0x41: {  	v34 =	vld [tilespmem:s18+$0x20]  }
0x42: {  	v35 =	vld [tilespmem:s19+$0x30]  }
0x43: {  	v36 =	vld [tilespmem:s18+$0x30]  }
0x44: {  	v37 =	vld [tilespmem:s19+$0x50]  }
0x45: {  	v38 =	vld [tilespmem:s18+$0x50]  }
0x46: {  	v39 =	vld [tilespmem:s19+$0x60]  }
0x47: {  	v40 =	vld [tilespmem:s18+$0x60]  }
0x48: {  	v41 =	vld [tilespmem:s19+$0x70]  }
0x49: {  	v42 =	vld [tilespmem:s18+$0x70]  }
0x4a: {  	v43 =	vld [tilespmem:s19+$0x80]  }
0x4b: {  	v44 =	vld [tilespmem:s18+$0x80]  }
0x4c: {  	v45 =	vld [tilespmem:s19+$0x90]  }
0x4d: {  	v46 =	vld [tilespmem:s18+$0x90]  }
0x4e: {  	v47 =	vld [tilespmem:s19+$0xA0]  }
0x4f: {  	v48 =	vld [tilespmem:s18+$0xA0]  }
0x50: {  	v49 =	vld [tilespmem:s19+$0xFFFFFF40]  }
0x51: {  	v0 =	vld.idx.msk [tilespmem:v0+s3+$0x0], $0xffff  }
0x52: {  	v1 =	vld.idx.msk [tilespmem:v1+s11+$0x0], $0xffff  }
0x53: {  	v2 =	vld.idx.msk [tilespmem:v2+s3+$0x0], $0xffff  }
0x54: {  	v3 =	vld.idx.msk [tilespmem:v3+s11+$0x0], $0xffff  }
0x55: {  	v4 =	vld.idx.msk [tilespmem:v4+s3+$0x0], $0xffff  }
0x56: {  	v5 =	vld.idx.msk [tilespmem:v5+s11+$0x0], $0xffff  }
0x57: {  	v6 =	vld.idx.msk [tilespmem:v6+s3+$0x0], $0xffff  }
0x58: {  	v7 =	vld.idx.msk [tilespmem:v7+s11+$0x0], $0xffff  }
0x59: {  	v8 =	vld.idx.msk [tilespmem:v8+s11+$0x0], $0xffff  }
0x5a: {  	v9 =	vld.idx.msk [tilespmem:v9+s3+$0x0], $0xffff  }
0x5b: {  	v10 =	vld.idx.msk [tilespmem:v10+s11+$0x0], $0xffff  }
0x5c: {  	v11 =	vld.idx.msk [tilespmem:v11+s3+$0x0], $0xffff  }
0x5d: {  	v12 =	vld.idx.msk [tilespmem:v12+s11+$0x0], $0xffff  }
0x5e: {  	v13 =	vld.idx.msk [tilespmem:v13+s3+$0x0], $0xffff  }
0x5f: {  	v14 =	vld.idx.msk [tilespmem:v14+s11+$0x0], $0xffff  }
0x60: {  	v49 =	vld.idx.msk [tilespmem:v49+s3+$0x0], $0xffff  }
0x61: {  	v15 =	vld.idx.msk [tilespmem:v15+s3+$0x0], $0xffff  }
0x62: {  	v16 =	vld.idx.msk [tilespmem:v16+s11+$0x0], $0xffff  }
0x63: {  	v17 =	vld.idx.msk [tilespmem:v17+s3+$0x0], $0xffff  }
0x64: {  	v18 =	vld.idx.msk [tilespmem:v18+s11+$0x0], $0xffff  }
0x65: {  	v19 =	vld.idx.msk [tilespmem:v19+s3+$0x0], $0xffff  }
0x66: {  	v20 =	vld.idx.msk [tilespmem:v20+s11+$0x0], $0xffff  }
0x67: {  	v21 =	vld.idx.msk [tilespmem:v21+s3+$0x0], $0xffff  }
0x68: {  	v22 =	vld.idx.msk [tilespmem:v22+s11+$0x0], $0xffff  }
0x69: {  	v23 =	vld.idx.msk [tilespmem:v23+s3+$0x0], $0xffff  }
0x6a: {  	v24 =	vld.idx.msk [tilespmem:v24+s11+$0x0], $0xffff  }
0x6b: {  	v25 =	vld.idx.msk [tilespmem:v25+s3+$0x0], $0xffff  }
0x6c: {  	v58 =	vld.idx.msk [tilespmem:v32+s11+$0x0], $0xffff;
	v0 =	vadd.f32 v1, v0  }
0x6d: {  	s19 =	simm.s32 $0x9EC0;
	v1 =	vld.idx.msk [tilespmem:v26+s11+$0x0], $0xffff;
	v2 =	vadd.f32 v3, v2  }
0x6e: {  	v59 =	vld.idx.msk [tilespmem:v34+s11+$0x0], $0xffff;
	[tilespmem:s19+$0xB0] =	vst v0;
	v0 =	vadd.f32 v5, v4  }
0x6f: {  	[tilespmem:s20+$0x9F80] =	vst v2;
	v2 =	vadd.f32 v7, v6;
	v5 =	vld.idx.msk [tilespmem:v29+s3+$0x0], $0xffff  }
0x70: {  	v6 =	vld.idx.msk [tilespmem:v30+s11+$0x0], $0xffff;
	[tilespmem:s20+$0x9E80] =	vst v0;
	v0 =	vadd.f32 v10, v9  }
0x71: {  	v60 =	vld.idx.msk [tilespmem:v35+s3+$0x0], $0xffff;
	[tilespmem:s20+$0x9F00] =	vst v2;
	v2 =	vadd.f32 v12, v11  }
0x72: {  	v61 =	vld.idx.msk [tilespmem:v36+s11+$0x0], $0xffff;
	v1 =	vadd.f32 v1, v25;
	[tilespmem:s19+$0xFFFFFF50] =	vst v0  }
0x73: {  	v62 =	vld.idx.msk [tilespmem:v37+s3+$0x0], $0xffff;
	v0 =	vadd.f32 v14, v13;
	[tilespmem:s19+$0xFFFFFF60] =	vst v2  }
0x74: {  	v3 =	vld.idx.msk [tilespmem:v27+s3+$0x0], $0xffff;
	v2 =	vadd.f32 v8, v49;
	[tilespmem:s19+$0xFFFFFFE0] =	vst v1  }
0x75: {  	v4 =	vld.idx.msk [tilespmem:v28+s11+$0x0], $0xffff;
	v1 =	vadd.f32 v6, v5;
	[tilespmem:s19+$0xFFFFFF70] =	vst v0  }
0x76: {  	v7 =	vld.idx.msk [tilespmem:v31+s3+$0x0], $0xffff;
	v0 =	vadd.f32 v16, v15;
	[tilespmem:s19+$0xFFFFFF40] =	vst v2  }
0x77: {  	v8 =	vld.idx.msk [tilespmem:v33+s3+$0x0], $0xffff;
	v2 =	vadd.f32 v18, v17;
	[tilespmem:s19+$0x0] =	vst v1  }
0x78: {  	v5 =	vld.idx.msk [tilespmem:v41+s3+$0x0], $0xffff;
	[tilespmem:s19+$0xFFFFFF80] =	vst v0;
	v0 =	vadd.f32 v20, v19  }
0x79: {  	v6 =	vld.idx.msk [tilespmem:v42+s11+$0x0], $0xffff;
	[tilespmem:s19+$0xFFFFFF90] =	vst v2;
	v2 =	vadd.f32 v22, v21  }
0x7a: {  	v63 =	vld.idx.msk [tilespmem:v38+s11+$0x0], $0xffff;
	[tilespmem:s19+$0xFFFFFFA0] =	vst v0;
	v0 =	vadd.f32 v24, v23  }
0x7b: {  	[tilespmem:s19+$0xFFFFFFB0] =	vst v2;
	v2 =	vld.idx.msk [tilespmem:v39+s3+$0x0], $0xffff  }
0x7c: {  	v1 =	vadd.f32 v59, v8;
	[tilespmem:s19+$0xFFFFFFD0] =	vst v0;
	v0 =	vadd.f32 v4, v3;
	v4 =	vld.idx.msk [tilespmem:v40+s11+$0x0], $0xffff;
	_ =	sdelay $0x1  }
0x7d: {  	v6 =	vadd.f32 v6, v5;
	v5 =	vld.idx.msk [tilespmem:v48+s11+$0x0], $0xffff;
	[tilespmem:s19+$0x20] =	vst v1;
	v3 =	vadd.f32 v58, v7  }
0x7e: {  	v7 =	vadd.f32 v61, v60;
	[tilespmem:s19+$0xFFFFFFF0] =	vst v0;
	v0 =	vld.idx.msk [tilespmem:v43+s3+$0x0], $0xffff  }
0x7f: {  	v8 =	vadd.f32 v63, v62;
	[tilespmem:s19+$0x10] =	vst v3;
	v3 =	vld.idx.msk [tilespmem:v44+s11+$0x0], $0xffff  }
0x80: {  	v1 =	vld.idx.msk [tilespmem:v45+s3+$0x0], $0xffff;
	[tilespmem:s19+$0x30] =	vst v7;
	v7 =	vadd.f32 v4, v2  }
0x81: {  	[tilespmem:s19+$0x50] =	vst v8;
	v4 =	vld.idx.msk [tilespmem:v46+s11+$0x0], $0xffff  }
0x82: {  	s21 =	simm.s32 $0x5150;
	s22 =	simm.s32 $0x0;
	s20 =	simm.s32 $0x0;
	v2 =	vld.idx.msk [tilespmem:v47+s3+$0x0], $0xffff;
	[tilespmem:s19+$0x60] =	vst v7  }
.LBB2_2:
0x83: {  	v7 =	vld [tilespmem:s21+$0xB0];
	s22 =	sadd.s32 $0x190, s22;
	s18 =	sadd.s32 $0x190, s18  }
0x84: {  	v0 =	vadd.f32 v3, v0;
	s23 =	sand.u32 $0x3FF0, s22;
	v8 =	vld [tilespmem:s18+$0xB0];
	[tilespmem:s19+$0x70] =	vst v6  }
0x85: {  	s20 =	sadd.s32 $0x19, s20;
	v3 =	vld [tilespmem:s23+$0x5080]  }
0x86: {  	p0 =	slt.u32 s20, $0x258;
	v6 =	vld [tilespmem:s23+$0x7800];
	[tilespmem:s19+$0x80] =	vst v0;
	v0 =	vadd.f32 v4, v1  }
0x87: {  	v1 =	vld [tilespmem:s23+$0x4F80]  }
0x88: {  	v4 =	vld [tilespmem:s23+$0x7700];
	[tilespmem:s19+$0x90] =	vst v0;
	v0 =	vadd.f32 v5, v2  }
0x89: {  	v2 =	vld [tilespmem:s23+$0x5000]  }
0x8a: {  	v5 =	vld [tilespmem:s23+$0x7780];
	[tilespmem:s19+$0xA0] =	vst v0  }
0x8b: {  	v0 =	vld.idx.msk [tilespmem:v7+s3+$0x0], $0xffff  }
0x8c: {  	v7 =	vld.idx.msk [tilespmem:v8+s11+$0x0], $0xffff  }
0x8d: {  	v3 =	vld.idx.msk [tilespmem:v3+s3+$0x0], $0xffff  }
0x8e: {  	v6 =	vld.idx.msk [tilespmem:v6+s11+$0x0], $0xffff  }
0x8f: {  	v1 =	vld.idx.msk [tilespmem:v1+s3+$0x0], $0xffff  }
0x90: {  	v4 =	vld.idx.msk [tilespmem:v4+s11+$0x0], $0xffff  }
0x91: {  	v2 =	vld.idx.msk [tilespmem:v2+s3+$0x0], $0xffff  }
0x92: {  	v5 =	vld.idx.msk [tilespmem:v5+s11+$0x0], $0xffff  }
0x93: {  	v0 =	vadd.f32 v7, v0;
	v8 =	vld [tilespmem:s18+$0xFFFFFF40]  }
0x94: {  	s19 =	sadd.s32 $0x190, s19;
	v3 =	vadd.f32 v6, v3;
	v7 =	vld [tilespmem:s21+$0xFFFFFF50]  }
0x95: {  	v6 =	vld [tilespmem:s18+$0xFFFFFF50];
	[tilespmem:s19+$0xB0] =	vst v0  }
0x96: {  	v1 =	vadd.f32 v4, v1;
	v0 =	vld [tilespmem:s21+$0xFFFFFF60];
	[tilespmem:s23+$0x9F80] =	vst v3  }
0x97: {  	v3 =	vld [tilespmem:s18+$0xFFFFFF60]  }
0x98: {  	v4 =	vld [tilespmem:s21+$0xFFFFFF70];
	[tilespmem:s23+$0x9E80] =	vst v1;
	v1 =	vadd.f32 v5, v2  }
0x99: {  	v2 =	vld [tilespmem:s18+$0xFFFFFF70]  }
0x9a: {  	v5 =	vld [tilespmem:s21+$0xFFFFFF80];
	[tilespmem:s23+$0x9F00] =	vst v1  }
0x9b: {  	v1 =	vld [tilespmem:s18+$0xFFFFFF80]  }
0x9c: {  	v9 =	vld [tilespmem:s21+$0xFFFFFF90]  }
0x9d: {  	v10 =	vld [tilespmem:s18+$0xFFFFFF90]  }
0x9e: {  	v11 =	vld [tilespmem:s21+$0xFFFFFFA0]  }
0x9f: {  	v12 =	vld [tilespmem:s18+$0xFFFFFFA0]  }
0xa0: {  	v13 =	vld [tilespmem:s21+$0xFFFFFFB0]  }
0xa1: {  	v14 =	vld [tilespmem:s18+$0xFFFFFFB0]  }
0xa2: {  	v15 =	vld [tilespmem:s21+$0xFFFFFFD0]  }
0xa3: {  	v16 =	vld [tilespmem:s18+$0xFFFFFFD0]  }
0xa4: {  	v17 =	vld [tilespmem:s21+$0xFFFFFFE0]  }
0xa5: {  	v18 =	vld [tilespmem:s18+$0xFFFFFFE0]  }
0xa6: {  	v19 =	vld [tilespmem:s21+$0xFFFFFFF0]  }
0xa7: {  	v20 =	vld [tilespmem:s18+$0xFFFFFFF0]  }
0xa8: {  	v21 =	vld [tilespmem:s21+$0x0]  }
0xa9: {  	v22 =	vld [tilespmem:s18+$0x0]  }
0xaa: {  	v23 =	vld [tilespmem:s21+$0x10]  }
0xab: {  	v24 =	vld [tilespmem:s18+$0x10]  }
0xac: {  	v25 =	vld [tilespmem:s21+$0x20]  }
0xad: {  	v26 =	vld [tilespmem:s18+$0x20]  }
0xae: {  	v27 =	vld [tilespmem:s21+$0x30]  }
0xaf: {  	v28 =	vld [tilespmem:s18+$0x30]  }
0xb0: {  	v29 =	vld [tilespmem:s21+$0x50]  }
0xb1: {  	v30 =	vld [tilespmem:s18+$0x50]  }
0xb2: {  	v31 =	vld [tilespmem:s21+$0x60]  }
0xb3: {  	v32 =	vld [tilespmem:s18+$0x60]  }
0xb4: {  	v33 =	vld [tilespmem:s21+$0x70]  }
0xb5: {  	v34 =	vld [tilespmem:s18+$0x70]  }
0xb6: {  	v35 =	vld [tilespmem:s21+$0x80]  }
0xb7: {  	v36 =	vld [tilespmem:s18+$0x80]  }
0xb8: {  	v37 =	vld [tilespmem:s21+$0x90]  }
0xb9: {  	v38 =	vld [tilespmem:s18+$0x90]  }
0xba: {  	v39 =	vld [tilespmem:s21+$0xA0]  }
0xbb: {  	v40 =	vld [tilespmem:s18+$0xA0]  }
0xbc: {  	v41 =	vld [tilespmem:s21+$0xFFFFFF40]  }
0xbd: {  	v8 =	vld.idx.msk [tilespmem:v8+s11+$0x0], $0xffff  }
0xbe: {  	v7 =	vld.idx.msk [tilespmem:v7+s3+$0x0], $0xffff  }
0xbf: {  	v6 =	vld.idx.msk [tilespmem:v6+s11+$0x0], $0xffff  }
0xc0: {  	v0 =	vld.idx.msk [tilespmem:v0+s3+$0x0], $0xffff  }
0xc1: {  	v3 =	vld.idx.msk [tilespmem:v3+s11+$0x0], $0xffff  }
0xc2: {  	v4 =	vld.idx.msk [tilespmem:v4+s3+$0x0], $0xffff  }
0xc3: {  	v2 =	vld.idx.msk [tilespmem:v2+s11+$0x0], $0xffff  }
0xc4: {  	v41 =	vld.idx.msk [tilespmem:v41+s3+$0x0], $0xffff  }
0xc5: {  	v6 =	vadd.f32 v6, v7;
	v5 =	vld.idx.msk [tilespmem:v5+s3+$0x0], $0xffff  }
0xc6: {  	v1 =	vld.idx.msk [tilespmem:v1+s11+$0x0], $0xffff  }
0xc7: {  	v0 =	vadd.f32 v3, v0;
	[tilespmem:s19+$0xFFFFFF50] =	vst v6;
	v3 =	vld.idx.msk [tilespmem:v9+s3+$0x0], $0xffff  }
0xc8: {  	v6 =	vld.idx.msk [tilespmem:v10+s11+$0x0], $0xffff  }
0xc9: {  	[tilespmem:s19+$0xFFFFFF60] =	vst v0;
	v0 =	vadd.f32 v2, v4;
	v2 =	vld.idx.msk [tilespmem:v11+s3+$0x0], $0xffff  }
0xca: {  	v4 =	vadd.f32 v8, v41;
	v7 =	vld.idx.msk [tilespmem:v12+s11+$0x0], $0xffff  }
0xcb: {  	[tilespmem:s19+$0xFFFFFF70] =	vst v0;
	v0 =	vld.idx.msk [tilespmem:v13+s3+$0x0], $0xffff  }
0xcc: {  	v1 =	vadd.f32 v1, v5;
	[tilespmem:s19+$0xFFFFFF40] =	vst v4;
	v4 =	vld.idx.msk [tilespmem:v14+s11+$0x0], $0xffff  }
0xcd: {  	v5 =	vld.idx.msk [tilespmem:v15+s3+$0x0], $0xffff  }
0xce: {  	[tilespmem:s19+$0xFFFFFF80] =	vst v1;
	v1 =	vadd.f32 v6, v3;
	v3 =	vld.idx.msk [tilespmem:v16+s11+$0x0], $0xffff  }
0xcf: {  	v6 =	vld.idx.msk [tilespmem:v17+s3+$0x0], $0xffff  }
0xd0: {  	[tilespmem:s19+$0xFFFFFF90] =	vst v1;
	v1 =	vadd.f32 v7, v2;
	v2 =	vld.idx.msk [tilespmem:v18+s11+$0x0], $0xffff  }
0xd1: {  	v7 =	vld.idx.msk [tilespmem:v19+s3+$0x0], $0xffff  }
0xd2: {  	v0 =	vadd.f32 v4, v0;
	[tilespmem:s19+$0xFFFFFFA0] =	vst v1;
	v1 =	vld.idx.msk [tilespmem:v20+s11+$0x0], $0xffff  }
0xd3: {  	v4 =	vld.idx.msk [tilespmem:v21+s3+$0x0], $0xffff  }
0xd4: {  	[tilespmem:s19+$0xFFFFFFB0] =	vst v0;
	v0 =	vadd.f32 v3, v5;
	v3 =	vld.idx.msk [tilespmem:v22+s11+$0x0], $0xffff  }
0xd5: {  	v5 =	vld.idx.msk [tilespmem:v23+s3+$0x0], $0xffff  }
0xd6: {  	[tilespmem:s19+$0xFFFFFFD0] =	vst v0;
	v0 =	vadd.f32 v2, v6;
	v2 =	vld.idx.msk [tilespmem:v24+s11+$0x0], $0xffff  }
0xd7: {  	v6 =	vld.idx.msk [tilespmem:v25+s3+$0x0], $0xffff  }
0xd8: {  	[tilespmem:s19+$0xFFFFFFE0] =	vst v0;
	v0 =	vadd.f32 v1, v7;
	v1 =	vld.idx.msk [tilespmem:v26+s11+$0x0], $0xffff  }
0xd9: {  	v7 =	vld.idx.msk [tilespmem:v27+s3+$0x0], $0xffff  }
0xda: {  	[tilespmem:s19+$0xFFFFFFF0] =	vst v0;
	v0 =	vadd.f32 v3, v4;
	v3 =	vld.idx.msk [tilespmem:v28+s11+$0x0], $0xffff  }
0xdb: {  	v4 =	vld.idx.msk [tilespmem:v29+s3+$0x0], $0xffff  }
0xdc: {  	[tilespmem:s19+$0x0] =	vst v0;
	v0 =	vadd.f32 v2, v5;
	v2 =	vld.idx.msk [tilespmem:v30+s11+$0x0], $0xffff  }
0xdd: {  	v5 =	vld.idx.msk [tilespmem:v31+s3+$0x0], $0xffff  }
0xde: {  	[tilespmem:s19+$0x10] =	vst v0;
	v0 =	vadd.f32 v1, v6;
	v6 =	vld.idx.msk [tilespmem:v32+s11+$0x0], $0xffff  }
0xdf: {  	v8 =	vld.idx.msk [tilespmem:v33+s3+$0x0], $0xffff  }
0xe0: {  	v1 =	vadd.f32 v3, v7;
	[tilespmem:s19+$0x20] =	vst v0;
	v7 =	vld.idx.msk [tilespmem:v34+s11+$0x0], $0xffff  }
0xe1: {  	v0 =	vld.idx.msk [tilespmem:v35+s3+$0x0], $0xffff  }
.Ltmp0:
0xe2: {  	v2 =	vadd.f32 v2, v4;
	[tilespmem:s19+$0x30] =	vst v1;
	v3 =	vld.idx.msk [tilespmem:v36+s11+$0x0], $0xffff;
	(pc) =	sbr.rel @p0 .LBB2_2-.Ltmp0, $4  }
0xe3: {  	v1 =	vld.idx.msk [tilespmem:v37+s3+$0x0], $0xffff  }
0xe4: {  	v5 =	vadd.f32 v6, v5;
	[tilespmem:s19+$0x50] =	vst v2;
	v4 =	vld.idx.msk [tilespmem:v38+s11+$0x0], $0xffff  }
0xe5: {  	v2 =	vld.idx.msk [tilespmem:v39+s3+$0x0], $0xffff  }
0xe6: {  	s21 =	sadd.s32 $0x190, s21;
	v6 =	vadd.f32 v7, v8;
	[tilespmem:s19+$0x60] =	vst v5;
	v5 =	vld.idx.msk [tilespmem:v40+s11+$0x0], $0xffff  }
0xe7: {  	_ =	sdelay $0x1  }
0xe8: {  	v0 =	vadd.f32 v3, v0  }
0xe9: {  	[tilespmem:s19+$0x70] =	vst v6;
	v1 =	vadd.f32 v4, v1  }
0xea: {  	s17 =	sadd.s32 $0x1, s17;
	[tilespmem:s19+$0x80] =	vst v0;
	v63 =	vadd.f32 v5, v2  }
0xeb: {  	p0 =	sne.s32 s17, s8;
	[tilespmem:s19+$0x90] =	vst v1  }
.Ltmp1:
0xec: {  	[tilespmem:s19+$0xA0] =	vst v63;
	(pc) =	sbr.rel @p0 .LBB2_1-.Ltmp1, $4  }
0xed: {  	[hbm4b:s7+s3] =	stream.linear.scatter [tilespmem:s15], [sflag:$0x2], $0x2710, $0x38;
	[tilespmem:$0xC580] =	vst v63  }
0xee: {  	_ =	swait.ge [sflag:s16], $0x2710  }
0xef: {  	[sflag:s16] =	ssyncset.done $0x0  }
0xf0: {  	[sflag:s16] =	ssyncadd.s32 $0xFFFFD8F0  }
0xf1: {  	_ =	sfence.sel $0x180000  }
0xf2: {  	[bflag:$0x0] =	sbarrier.arrive $0xFFFF  }
0xf3: {  	p0 =	sne.s32 s0, $0x0;
	_ =	strace $0x90000047  }
0xf4: {  	s0 =	sadd.s32 @!p0 $0x100000, s1;
	[bflag:$0x2] =	sbarrier.arrive $0xFFFF  }
0xf5: {  	[sflag:s0] =	ssyncadd.tile.s32 @!p0 $0x1;
	_ =	shalt  }
.Lfunc_end2:
_tile_overlayer_lowered:
.L_overlay_start_2:
0xf6: {  	(tag) =	ssettag $0x2  }
0xf7: {  	s0 =	rddreg [dreg:$0x0];
	s2 =	stileid.u32  }
0xf8: {  	s1 =	rddreg [dreg:$0x1];
	p0 =	sne.s32 s2, $0x0  }
0xf9: {  	s3 =	rddreg [dreg:$0x2];
	[bflag:$0x3] =	sbarrier.arrive $0xFFFF;
	s2 =	simm.s32 @!p0 $0x1C02  }
0xfa: {  	[timem:s3], [sflag:s2] =	dma.local @!p0 [hbm:s0], s1  }
0xfb: {  	s0 =	simm.s32 @!p0 $0x2  }
0xfc: {  	_ =	swait.ge @!p0 [sflag:s0], s1  }
0xfd: {  	s1 =	ssub.s32 @!p0 $0x0, s1;
	[sflag:s0] =	ssyncset.done @!p0 $0x0  }
0xfe: {  	[sflag:s0] =	ssyncadd.s32 @!p0 s1  }
0xff: {  	[bflag:$0x3] =	sbarrier.arrive $0xFFFF  }
0x100: {  	_ =	shalt  }

</sc_bundles>
